<compile_context>
chip_gen: v7x
topology: tpu7x:2x2x1
jax: 0.10.2.dev20260603
libtpu: 0.0.44.dev20260713+nightly
codegen_flags: <defaults>
</compile_context>

<pallas_src>
import functools

import jax
import jax.numpy as jnp
from jax import lax
from jax.experimental import pallas as pl
from jax.experimental.pallas import tpu as pltpu
from jax.experimental.pallas import tpu_sc as plsc

NUM_ROWS = 4096
DIM = 6
LANES = 16
NUM_CORES = 1
NUM_SUBCORES = 16
NUM_WORKERS = NUM_CORES * NUM_SUBCORES
ROWS_PER_W = NUM_ROWS // NUM_WORKERS
FLOATS_PER_W = ROWS_PER_W * DIM
VECS_PER_W = FLOATS_PER_W // LANES


@functools.partial(
    pl.kernel,
    out_type=jax.ShapeDtypeStruct((NUM_ROWS, DIM), jnp.float32),
    mesh=plsc.VectorSubcoreMesh(
        core_axis_name="c", subcore_axis_name="s", num_cores=NUM_CORES
    ),
    scratch_types=[
        pltpu.VMEM((ROWS_PER_W,), jnp.int32),
        pltpu.VMEM((1, DIM), jnp.float32),
        pltpu.VMEM((ROWS_PER_W, DIM), jnp.float32),
        pltpu.SemaphoreType.DMA,
        pltpu.SemaphoreType.DMA,
    ],
    compiler_params=pltpu.CompilerParams(
        needs_layout_passes=False, disable_bounds_checks=True
    ),
)
def _lookup(idx_hbm, tbl_hbm, out_hbm, idx_v, tbl_v, buf_v, sem1, sem2):
    wid = lax.axis_index("s") * NUM_CORES + lax.axis_index("c")
    cp1 = pltpu.make_async_copy(
        idx_hbm.at[pl.ds(wid * ROWS_PER_W, ROWS_PER_W)], idx_v, sem1
    )
    cp2 = pltpu.make_async_copy(tbl_hbm, tbl_v, sem2)
    cp1.start()
    cp2.start()
    cp1.wait()
    cp2.wait()
    lane = lax.iota(jnp.int32, LANES)

    def body(k, carry):
        for u in range(2):
            pos = lane + (k * 2 + u) * LANES
            row = pos // DIM
            col = pos - row * DIM
            idx = plsc.load_gather(idx_v, [row])
            idx = jnp.clip(idx, 0, 0)
            vals = plsc.load_gather(tbl_v, [idx, col])
            plsc.store_scatter(buf_v, [row, col], vals)
        return carry

    lax.fori_loop(0, VECS_PER_W // 2, body, 0)
    pltpu.sync_copy(buf_v, out_hbm.at[pl.ds(wid * ROWS_PER_W, ROWS_PER_W)])


def kernel(indices, table):
    return _lookup(indices.astype(jnp.int32), table)

# --- scband reference (transcript-rebuilt; emitter-appended) ---
"""Pipeline reference for scband-camera-pose-61521111548402 (READ-ONLY COPY).

The authoritative reference and input builder live on the scoring server;
editing this copy changes nothing except your own understanding.
"""

import jax, jax.numpy as jnp
import numpy as np

def setup_inputs(seed: int = 0) -> dict:
    key = jax.random.key(seed)
    k1, k2 = jax.random.split(key)
    indices = jax.random.randint(k1, (4096,), 0, 1)
    table = jax.random.normal(k2, (1, 6), dtype=jnp.float32)
    return {"indices": indices, "table": table}

def reference(indices, table):
    # Faithful translation of nn.Embedding lookup: params(indices)
    return jnp.take(table, indices, axis=0)

if __name__ == "__main__":
    import jax
    _d = setup_inputs()
    print(jax.jit(kernel)(*tuple(_d.values())))

</pallas_src>

<mosaic_0001>
#map = affine_map<(d0, d1) -> (0)>
#map1 = affine_map<(d0, d1) -> (0, 0)>
module attributes {stable_mosaic.version = 14 : i64} {
  func.func @_lookup(%arg0: i32, %arg1: i32, %arg2: memref<4096xi32, #tpu.memory_space<hbm>>, %arg3: memref<1x6xf32, #tpu.memory_space<hbm>>, %arg4: memref<4096x6xf32, #tpu.memory_space<hbm>>, %arg5: memref<256xi32, #tpu.memory_space<vmem>>, %arg6: memref<1x6xf32, #tpu.memory_space<vmem>>, %arg7: memref<256x6xf32, #tpu.memory_space<vmem>>, %arg8: memref<!tpu.dma_semaphore, #tpu.memory_space<semaphore_mem>>, %arg9: memref<!tpu.dma_semaphore, #tpu.memory_space<semaphore_mem>>) attributes {dimension_semantics = [#tpu.dimension_semantics<core_parallel>, #tpu.dimension_semantics<subcore_parallel>], iteration_bounds = array<i64: 1, 16>, scalar_prefetch = 0 : i64, scratch_operands = 5 : i64, tpu.core_type = #tpu.core_type<sc_vector_subcore>, window_params = [{transform_indices = #map}, {transform_indices = #map1}, {transform_indices = #map1}]} {
    %mul3A = arith.constant 1 : i32
    %mul3A_0 = arith.muli %arg1, %mul3A : i32
    %add3A = arith.addi %mul3A_0, %arg0 : i32
    %mul3A_1 = arith.constant 256 : i32
    %mul3A_2 = arith.muli %add3A, %mul3A_1 : i32
    %dma_start3A = tpu.memref_slice %arg2[%mul3A_2] : memref<4096xi32, #tpu.memory_space<hbm>> -> memref<256xi32, #tpu.memory_space<hbm>>
    %dma_start3A_3 = tpu.memref_slice %arg2[%mul3A_2] : memref<4096xi32, #tpu.memory_space<hbm>> -> memref<256xi32, #tpu.memory_space<hbm>>
    tpu.enqueue_dma source(%dma_start3A_3 : memref<256xi32, #tpu.memory_space<hbm>>) target(%arg5 : memref<256xi32, #tpu.memory_space<vmem>>) target_semaphore(%arg8 : memref<!tpu.dma_semaphore, #tpu.memory_space<semaphore_mem>>)
    tpu.enqueue_dma source(%arg3 : memref<1x6xf32, #tpu.memory_space<hbm>>) target(%arg6 : memref<1x6xf32, #tpu.memory_space<vmem>>) target_semaphore(%arg9 : memref<!tpu.dma_semaphore, #tpu.memory_space<semaphore_mem>>)
    %dma_wait3A = tpu.memref_slice %arg2[%mul3A_2] : memref<4096xi32, #tpu.memory_space<hbm>> -> memref<256xi32, #tpu.memory_space<hbm>>
    %dma_wait3A_4 = tpu.memref_slice %arg2[%mul3A_2] : memref<4096xi32, #tpu.memory_space<hbm>> -> memref<256xi32, #tpu.memory_space<hbm>>
    tpu.wait_dma2 semaphore(%arg8 : memref<!tpu.dma_semaphore, #tpu.memory_space<semaphore_mem>>) src(%dma_wait3A_4 : memref<256xi32, #tpu.memory_space<hbm>>) dst(%arg5 : memref<256xi32, #tpu.memory_space<vmem>>)
    tpu.wait_dma2 semaphore(%arg9 : memref<!tpu.dma_semaphore, #tpu.memory_space<semaphore_mem>>) src(%arg3 : memref<1x6xf32, #tpu.memory_space<hbm>>) dst(%arg6 : memref<1x6xf32, #tpu.memory_space<vmem>>)
    %iota3A = tpu.iota {dimensions = array<i32: 0>} : vector<16xi32>
    %scan3A = arith.constant 0 : i32
    %scan3A_5 = arith.constant 0 : i32
    %scan3A_6 = arith.constant 48 : i32
    %scan3A_7 = arith.addi %scan3A_5, %scan3A_6 : i32
    %scan3A_8 = arith.constant 1 : i32
    scf.for %scan3A_12 = %scan3A_5 to %scan3A_7 step %scan3A_8  : i32 {
      %mul3A_13 = arith.constant 2 : i32
      %mul3A_14 = arith.muli %scan3A_12, %mul3A_13 : i32
      %add3A_15 = arith.constant 0 : i32
      %add3A_16 = arith.addi %mul3A_14, %add3A_15 : i32
      %mul3A_17 = arith.constant 16 : i32
      %mul3A_18 = arith.muli %add3A_16, %mul3A_17 : i32
      %add3A_19 = vector.broadcast %mul3A_18 : i32 to vector<16xi32>
      %add3A_20 = arith.addi %iota3A, %add3A_19 : vector<16xi32>
      %jit3A = arith.constant 6 : i32
      %div3A = vector.broadcast %jit3A : i32 to vector<16xi32>
      %div3A_21 = arith.divsi %add3A_20, %div3A : vector<16xi32>
      %sign3A = arith.constant 0 : i32
      %sign3A_22 = vector.broadcast %sign3A : i32 to vector<16xi32>
      %sign3A_23 = arith.cmpi sgt, %add3A_20, %sign3A_22 : vector<16xi32>
      %sign3A_24 = arith.extui %sign3A_23 : vector<16xi1> to vector<16xi32>
      %sign3A_25 = arith.constant 0 : i32
      %sign3A_26 = vector.broadcast %sign3A_25 : i32 to vector<16xi32>
      %sign3A_27 = arith.cmpi slt, %add3A_20, %sign3A_26 : vector<16xi32>
      %sign3A_28 = arith.extui %sign3A_27 : vector<16xi1> to vector<16xi32>
      %sign3A_29 = arith.subi %sign3A_24, %sign3A_28 : vector<16xi32>
      %sign3A_30 = arith.constant 0 : i32
      %sign3A_31 = arith.cmpi sgt, %jit3A, %sign3A_30 : i32
      %sign3A_32 = arith.extui %sign3A_31 : i1 to i32
      %sign3A_33 = arith.constant 0 : i32
      %sign3A_34 = arith.cmpi slt, %jit3A, %sign3A_33 : i32
      %sign3A_35 = arith.extui %sign3A_34 : i1 to i32
      %sign3A_36 = arith.subi %sign3A_32, %sign3A_35 : i32
      %ne3A = vector.broadcast %sign3A_36 : i32 to vector<16xi32>
      %ne3A_37 = arith.cmpi ne, %sign3A_29, %ne3A : vector<16xi32>
      %rem3A = vector.broadcast %jit3A : i32 to vector<16xi32>
      %rem3A_38 = arith.remsi %add3A_20, %rem3A : vector<16xi32>
      %ne3A_39 = arith.constant 0 : i32
      %ne3A_40 = vector.broadcast %ne3A_39 : i32 to vector<16xi32>
      %ne3A_41 = arith.cmpi ne, %rem3A_38, %ne3A_40 : vector<16xi32>
      %and3A = arith.andi %ne3A_37, %ne3A_41 : vector<16xi1>
      %sub3A = arith.constant 1 : i32
      %sub3A_42 = vector.broadcast %sub3A : i32 to vector<16xi32>
      %sub3A_43 = arith.subi %div3A_21, %sub3A_42 : vector<16xi32>
      %select_n3A = arith.select %and3A, %sub3A_43, %div3A_21 : vector<16xi1>, vector<16xi32>
      %mul3A_44 = arith.constant 6 : i32
      %mul3A_45 = vector.broadcast %mul3A_44 : i32 to vector<16xi32>
      %mul3A_46 = arith.muli %select_n3A, %mul3A_45 : vector<16xi32>
      %sub3A_47 = arith.subi %add3A_20, %mul3A_46 : vector<16xi32>
      %gather3A = tpu.vector_load_idx %arg5[%select_n3A] : memref<256xi32, #tpu.memory_space<vmem>>[vector<16xi32>], vector<16xi32>,
      %jit3A_48 = arith.constant 0 : i32
      %jit3A_49 = arith.constant 0 : i32
      %max3A = vector.broadcast %jit3A_48 : i32 to vector<16xi32>
      %max3A_50 = arith.maxsi %max3A, %gather3A : vector<16xi32>
      %min3A = vector.broadcast %jit3A_49 : i32 to vector<16xi32>
      %min3A_51 = arith.minsi %min3A, %max3A_50 : vector<16xi32>
      %gather3A_52 = tpu.vector_load_idx %arg6[%min3A_51, %sub3A_47] : memref<1x6xf32, #tpu.memory_space<vmem>>[vector<16xi32>, vector<16xi32>], vector<16xf32>,
      tpu.vector_store_idx %arg7[%select_n3A, %sub3A_47], %gather3A_52 : memref<256x6xf32, #tpu.memory_space<vmem>>[vector<16xi32>, vector<16xi32>], vector<16xf32>,
      %mul3A_53 = arith.constant 2 : i32
      %mul3A_54 = arith.muli %scan3A_12, %mul3A_53 : i32
      %add3A_55 = arith.constant 1 : i32
      %add3A_56 = arith.addi %mul3A_54, %add3A_55 : i32
      %mul3A_57 = arith.constant 16 : i32
      %mul3A_58 = arith.muli %add3A_56, %mul3A_57 : i32
      %add3A_59 = vector.broadcast %mul3A_58 : i32 to vector<16xi32>
      %add3A_60 = arith.addi %iota3A, %add3A_59 : vector<16xi32>
      %jit3A_61 = arith.constant 6 : i32
      %div3A_62 = vector.broadcast %jit3A_61 : i32 to vector<16xi32>
      %div3A_63 = arith.divsi %add3A_60, %div3A_62 : vector<16xi32>
      %sign3A_64 = arith.constant 0 : i32
      %sign3A_65 = vector.broadcast %sign3A_64 : i32 to vector<16xi32>
      %sign3A_66 = arith.cmpi sgt, %add3A_60, %sign3A_65 : vector<16xi32>
      %sign3A_67 = arith.extui %sign3A_66 : vector<16xi1> to vector<16xi32>
      %sign3A_68 = arith.constant 0 : i32
      %sign3A_69 = vector.broadcast %sign3A_68 : i32 to vector<16xi32>
      %sign3A_70 = arith.cmpi slt, %add3A_60, %sign3A_69 : vector<16xi32>
      %sign3A_71 = arith.extui %sign3A_70 : vector<16xi1> to vector<16xi32>
      %sign3A_72 = arith.subi %sign3A_67, %sign3A_71 : vector<16xi32>
      %sign3A_73 = arith.constant 0 : i32
      %sign3A_74 = arith.cmpi sgt, %jit3A_61, %sign3A_73 : i32
      %sign3A_75 = arith.extui %sign3A_74 : i1 to i32
      %sign3A_76 = arith.constant 0 : i32
      %sign3A_77 = arith.cmpi slt, %jit3A_61, %sign3A_76 : i32
      %sign3A_78 = arith.extui %sign3A_77 : i1 to i32
      %sign3A_79 = arith.subi %sign3A_75, %sign3A_78 : i32
      %ne3A_80 = vector.broadcast %sign3A_79 : i32 to vector<16xi32>
      %ne3A_81 = arith.cmpi ne, %sign3A_72, %ne3A_80 : vector<16xi32>
      %rem3A_82 = vector.broadcast %jit3A_61 : i32 to vector<16xi32>
      %rem3A_83 = arith.remsi %add3A_60, %rem3A_82 : vector<16xi32>
      %ne3A_84 = arith.constant 0 : i32
      %ne3A_85 = vector.broadcast %ne3A_84 : i32 to vector<16xi32>
      %ne3A_86 = arith.cmpi ne, %rem3A_83, %ne3A_85 : vector<16xi32>
      %and3A_87 = arith.andi %ne3A_81, %ne3A_86 : vector<16xi1>
      %sub3A_88 = arith.constant 1 : i32
      %sub3A_89 = vector.broadcast %sub3A_88 : i32 to vector<16xi32>
      %sub3A_90 = arith.subi %div3A_63, %sub3A_89 : vector<16xi32>
      %select_n3A_91 = arith.select %and3A_87, %sub3A_90, %div3A_63 : vector<16xi1>, vector<16xi32>
      %mul3A_92 = arith.constant 6 : i32
      %mul3A_93 = vector.broadcast %mul3A_92 : i32 to vector<16xi32>
      %mul3A_94 = arith.muli %select_n3A_91, %mul3A_93 : vector<16xi32>
      %sub3A_95 = arith.subi %add3A_60, %mul3A_94 : vector<16xi32>
      %gather3A_96 = tpu.vector_load_idx %arg5[%select_n3A_91] : memref<256xi32, #tpu.memory_space<vmem>>[vector<16xi32>], vector<16xi32>,
      %jit3A_97 = arith.constant 0 : i32
      %jit3A_98 = arith.constant 0 : i32
      %max3A_99 = vector.broadcast %jit3A_97 : i32 to vector<16xi32>
      %max3A_100 = arith.maxsi %max3A_99, %gather3A_96 : vector<16xi32>
      %min3A_101 = vector.broadcast %jit3A_98 : i32 to vector<16xi32>
      %min3A_102 = arith.minsi %min3A_101, %max3A_100 : vector<16xi32>
      %gather3A_103 = tpu.vector_load_idx %arg6[%min3A_102, %sub3A_95] : memref<1x6xf32, #tpu.memory_space<vmem>>[vector<16xi32>, vector<16xi32>], vector<16xf32>,
      tpu.vector_store_idx %arg7[%select_n3A_91, %sub3A_95], %gather3A_103 : memref<256x6xf32, #tpu.memory_space<vmem>>[vector<16xi32>, vector<16xi32>], vector<16xf32>,
    }
    %scan3A_9 = arith.constant 48 : i32
    %mul3A_10 = arith.constant 256 : i32
    %mul3A_11 = arith.muli %add3A, %mul3A_10 : i32
    "tpu.region"() ({
      %run_scoped3A = tpu.sem_alloc : memref<!tpu.dma_semaphore, #tpu.memory_space<semaphore_mem>>
      %dma_start3A_12 = arith.constant 0 : i32
      %dma_start3A_13 = tpu.memref_slice %arg4[%mul3A_11, %dma_start3A_12] : memref<4096x6xf32, #tpu.memory_space<hbm>> -> memref<256x6xf32, #tpu.memory_space<hbm>>
      %dma_start3A_14 = arith.constant 0 : i32
      %dma_start3A_15 = tpu.memref_slice %arg4[%mul3A_11, %dma_start3A_14] : memref<4096x6xf32, #tpu.memory_space<hbm>> -> memref<256x6xf32, #tpu.memory_space<hbm>>
      tpu.enqueue_dma source(%arg7 : memref<256x6xf32, #tpu.memory_space<vmem>>) target(%dma_start3A_15 : memref<256x6xf32, #tpu.memory_space<hbm>>) target_semaphore(%run_scoped3A : memref<!tpu.dma_semaphore, #tpu.memory_space<semaphore_mem>>)
      %dma_wait3A_16 = arith.constant 0 : i32
      %dma_wait3A_17 = tpu.memref_slice %arg4[%mul3A_11, %dma_wait3A_16] : memref<4096x6xf32, #tpu.memory_space<hbm>> -> memref<256x6xf32, #tpu.memory_space<hbm>>
      %dma_wait3A_18 = arith.constant 0 : i32
      %dma_wait3A_19 = tpu.memref_slice %arg4[%mul3A_11, %dma_wait3A_18] : memref<4096x6xf32, #tpu.memory_space<hbm>> -> memref<256x6xf32, #tpu.memory_space<hbm>>
      tpu.wait_dma2 semaphore(%run_scoped3A : memref<!tpu.dma_semaphore, #tpu.memory_space<semaphore_mem>>) src(%arg7 : memref<256x6xf32, #tpu.memory_space<vmem>>) dst(%dma_wait3A_19 : memref<256x6xf32, #tpu.memory_space<hbm>>)
      tpu.yield
    }) : () -> ()
    return
  }
}

</mosaic_0001>

<sc_bundles>
// kernel: kernel.3.cloned.1.call-start
scs
__scs_entry_jumppad:
0x0: {  	(pc) =	sbr.rel $0x88, $3  }
0x1: {  	(tag) =	ssettag $0x0;
	lr =	simm.s32 $0x1  }
0x2: {  	[smem:$0x3F9F] =	sst lr;
	_ =	strace $0xD0000000  }
0x3: {  	_ = 	snop  }
0x4: {  	_ = 	snop  }
0x5: {  	_ = 	snop  }
0x6: {  	_ = 	snop  }
0x7: {  	_ = 	snop  }
__scs_overlays_trampoline_lowered:
0x8: {  	[smem:$0x3FAE] =	sst s0  }
0x9: {  	[smem:$0x3FAF] =	sst s1  }
0xa: {  	[smem:$0x3FB0] =	sst s2  }
0xb: {  	[smem:$0x3FB1] =	sst s3  }
0xc: {  	[smem:$0x3FB2] =	sst s4  }
0xd: {  	[smem:$0x3FB3] =	sst s5  }
0xe: {  	[smem:$0x3FB4] =	sst s6  }
0xf: {  	[smem:$0x3FB5] =	sst s7  }
0x10: {  	[smem:$0x3FB6] =	sst s8  }
0x11: {  	[smem:$0x3FB7] =	sst s9;
	s0 =	simm.s32 @!p0 $0x0  }
0x12: {  	s1 =	sld [smem:$0x3F9D];
	s0 =	simm.s32 @p0 $0x1  }
0x13: {  	[smem:$0x3FB8] =	sst s0;
	s0 =	simm.s32 @!p1 $0x0  }
0x14: {  	s2 =	sld [smem:$0x3F9C];
	s0 =	simm.s32 @p1 $0x1  }
0x15: {  	[smem:$0x3FB9] =	sst s0;
	s0 =	simm.s32 @!p2 $0x0  }
0x16: {  	s3 =	sld [smem:$0x3FDB];
	s0 =	simm.s32 @p2 $0x1  }
0x17: {  	s4 =	simm.s32 $0x1BF5;
	[smem:$0x3FBB] =	sst s0  }
0x18: {  	s0 =	sld [smem:$0x3F9E];
	_ =	swait.ge [sflag:s4], $0x0  }
0x19: {  	s7 =	sld [smem:$0x3F9F]  }
0x1a: {  	s8 =	sadd.s32 $0xFFFFE003, lr  }
0x1b: {  	s9 =	sadd.s32 $0xFFFFFEF7, lr;
	s5 =	simm.s32 $0xFFFFFFFF;
	p2 =	slt.u32 s8, $0xFFFFF086  }
0x1c: {  	p1 =	slt.u32 s9, $0xF7A;
	s5 =	simm.s32 @!p2 $0x0  }
0x1d: {  	s5 =	simm.s32 @p1 $0x1;
	p0 =	seq.s32 s7, s2  }
0x1e: {  	s7 =	smul.u32 @!p0 $0xF7A, s2;
	p2 =	seq.s32 @!p0 s5, $0x0  }
0x1f: {  	s9 =	smul.u32 $0xF7A, s1;
	s8 =	simm.s32 @!p0 $0x1BF5;
	p2 =	por !p2, p0  }
0x20: {  	[sflag:s8] =	ssyncset.s32 @!p0 $0xFFFFF086;
	s6 =	sadd.s32 @!p0 s3, s7;
	s7 =	simm.s32 @!p0 $0x108  }
0x21: {  	s3 =	sadd.s32 s3, s9;
	s6 =	sadd.s32 @!p0 $0x88, s6;
	s7 =	simm.s32 @p2 $0x1082  }
0x22: {  	[simem:s7], [sflag:s8] =	dma.local @!p0 [hbm:s6], $0xF7A  }
0x23: {  	s9 =	sor.u32 $0xD0000000, s2;
	s6 =	simm.s32 $0x108;
	_ =	swait.ge @!p0 [sflag:s8], $0x0  }
0x24: {  	s3 =	sadd.s32 $0x88, s3;
	s6 =	simm.s32 @!p1 $0x1082;
	[sflag:s4] =	ssyncset.s32 $0xFFFFF086  }
0x25: {  	[simem:s6], [sflag:s4] =	dma.local [hbm:s3], $0xF7A  }
0x26: {  	[smem:$0x3F9F] =	sst s1;
	(tag) =	ssettag s2;
	_ =	strace s9  }
0x27: {  	s1 =	sld [smem:$0x3FAF]  }
0x28: {  	s2 =	sld [smem:$0x3FB0]  }
0x29: {  	s4 =	sld [smem:$0x3FB2]  }
0x2a: {  	p0 =	seq.s32 s5, $0x0;
	s5 =	sld [smem:$0x3FB3]  }
0x2b: {  	s6 =	sld [smem:$0x3FB4]  }
0x2c: {  	s7 =	sld [smem:$0x3FB5]  }
0x2d: {  	s3 =	simm.s32 $0x108;
	s8 =	sld [smem:$0x3FB6]  }
0x2e: {  	s3 =	simm.s32 @!p0 $0x1082;
	s9 =	sld [smem:$0x3FB7]  }
0x2f: {  	lr =	sadd.s32 s0, s3;
	s0 =	sld [smem:$0x3FAE]  }
0x30: {  	s3 =	sld [smem:$0x3FB1]  }
0x31: {  	[smem:$0x3FBA] =	sst s10  }
0x32: {  	s10 =	sld [smem:$0x3FB8];
	_ =	sdelay $0x3  }
0x33: {  	p0 =	seq.s32 s10, $0x1;
	s10 =	sld [smem:$0x3FBA];
	_ =	sdelay $0x3  }
0x34: {  	[smem:$0x3FBA] =	sst s10  }
0x35: {  	s10 =	sld [smem:$0x3FB9];
	_ =	sdelay $0x3  }
0x36: {  	p1 =	seq.s32 s10, $0x1;
	s10 =	sld [smem:$0x3FBA];
	_ =	sdelay $0x3  }
0x37: {  	[smem:$0x3FBA] =	sst s10  }
0x38: {  	s10 =	sld [smem:$0x3FBB]  }
0x39: {  	_ = 	snop;
	(pc) =	sbr.ind lr, $3  }
0x3a: {  	_ = 	snop  }
0x3b: {  	_ = 	snop  }
0x3c: {  	p2 =	seq.s32 s10, $0x1;
	s10 =	sld [smem:$0x3FBA]  }
0x3d: {  	_ =	shalt  }
0x3e: {  	_ =	shalt  }
0x3f: {  	_ =	shalt  }
0x40: {  	_ =	shalt  }
0x41: {  	_ =	shalt  }
0x42: {  	_ =	shalt  }
0x43: {  	_ =	shalt  }
0x44: {  	_ =	shalt  }
0x45: {  	_ =	shalt  }
0x46: {  	_ =	shalt  }
0x47: {  	_ =	shalt  }
0x48: {  	_ =	shalt  }
0x49: {  	_ =	shalt  }
0x4a: {  	_ =	shalt  }
0x4b: {  	_ =	shalt  }
0x4c: {  	_ =	shalt  }
0x4d: {  	_ =	shalt  }
0x4e: {  	_ =	shalt  }
0x4f: {  	_ =	shalt  }
0x50: {  	_ =	shalt  }
0x51: {  	_ =	shalt  }
0x52: {  	_ =	shalt  }
0x53: {  	_ =	shalt  }
0x54: {  	_ =	shalt  }
0x55: {  	_ =	shalt  }
0x56: {  	_ =	shalt  }
0x57: {  	_ =	shalt  }
0x58: {  	_ =	shalt  }
0x59: {  	_ =	shalt  }
0x5a: {  	_ =	shalt  }
0x5b: {  	_ =	shalt  }
0x5c: {  	_ =	shalt  }
0x5d: {  	_ =	shalt  }
0x5e: {  	_ =	shalt  }
0x5f: {  	_ =	shalt  }
0x60: {  	_ =	shalt  }
0x61: {  	_ =	shalt  }
0x62: {  	_ =	shalt  }
0x63: {  	_ =	shalt  }
0x64: {  	_ =	shalt  }
0x65: {  	_ =	shalt  }
0x66: {  	_ =	shalt  }
0x67: {  	_ =	shalt  }
0x68: {  	_ =	shalt  }
0x69: {  	_ =	shalt  }
0x6a: {  	_ =	shalt  }
0x6b: {  	_ =	shalt  }
0x6c: {  	_ =	shalt  }
0x6d: {  	_ =	shalt  }
0x6e: {  	_ =	shalt  }
0x6f: {  	_ =	shalt  }
0x70: {  	_ =	shalt  }
0x71: {  	_ =	shalt  }
0x72: {  	_ =	shalt  }
0x73: {  	_ =	shalt  }
0x74: {  	_ =	shalt  }
0x75: {  	_ =	shalt  }
0x76: {  	_ =	shalt  }
0x77: {  	_ =	shalt  }
0x78: {  	_ =	shalt  }
0x79: {  	_ =	shalt  }
0x7a: {  	_ =	shalt  }
0x7b: {  	_ =	shalt  }
0x7c: {  	_ =	shalt  }
0x7d: {  	_ =	shalt  }
0x7e: {  	_ =	shalt  }
0x7f: {  	_ =	shalt  }
0x80: {  	_ =	shalt  }
0x81: {  	_ =	shalt  }
0x82: {  	_ =	shalt  }
0x83: {  	_ =	shalt  }
0x84: {  	_ =	shalt  }
0x85: {  	_ =	shalt  }
0x86: {  	_ =	shalt  }
0x87: {  	_ =	shalt  }
.Lfunc_end0:
.L_simem_size_0:
called_computation_lowered:
.L_overlay_start_0:
0x88: {  	s0 =	sld [smem:$0x3FD9]  }
0x89: {  	s1 =	sld [smem:$0x3FFE];
	_ =	sdelay $0x3  }
0x8a: {  	s0 =	sadd.s32 s1, s0  }
0x8b: {  	[smem:$0x3FC6] =	sst s0  }
0x8c: {  	_ = 	snop  }
0x8d: {  	s0 =	sld [smem:$0x3FC9]  }
0x8e: {  	s16 =	sld [smem:$0x3FC8];
	(tm) =	ssettm $0x1  }
0x8f: {  	s2 =	sld [smem:$0x3FFB];
	_ =	sdelay $0x3  }
0x90: {  	_ =	strace s2  }
0x91: {  	s2 =	sld [smem:$0x3FFC];
	_ =	sdelay $0x3  }
0x92: {  	_ =	strace s2  }
0x93: {  	s2 =	sld [smem:$0x3FFD];
	_ =	sdelay $0x3  }
0x94: {  	_ =	strace s2  }
0x95: {  	_ =	strace $0x8FFFFFFF  }
0x96: {  	s17 =	sld [smem:$0x3FDB];
	_ =	sdelay $0x1  }
0x97: {  	s3 =	simm.s32 $_scs_section_size  }
0x98: {  	s4 =	simm.s32 $_size__tile_overlayer_lowered;
	s5 =	simm.s32 $_tile_overlayer_lowered  }
0x99: {  	s20 =	simm.s32 $0x1BFF;
	s19 =	sshll.u32 s5, $0x1;
	s2 =	sadd.s32 s3, s17  }
0x9a: {  	s6 =	simm.s32 $0x0;
	s18 =	sshll.u32 s4, $0x1;
	s4 =	sadd.s32 s19, s2  }
0x9b: {  	[timem:s6], [sflag:s20] =	dma.local [hbm:s4], s18  }
0x9c: {  	_ =	swait.ge [sflag:s20], s18  }
0x9d: {  	s3 =	ssub.s32 $0x0, s18;
	[sflag:s20] =	ssyncset.done $0x0  }
0x9e: {  	[sflag:s20] =	ssyncadd.s32 s3;
	_ =	sdelay $0x1  }
0x9f: {  	s21 =	simm.s32 $0x1B8B  }
0xa0: {  	_ =	swait.ge [sflag:s21], $0x1  }
0xa1: {  	[sflag:s21] =	ssyncset.done $0x0  }
0xa2: {  	s23 =	simm.s32 $0x1B8E;
	s22 =	sld [smem:$0x3FFE];
	[sflag:s21] =	ssyncadd.s32 $0xFFFFFFFF  }
0xa3: {  	s24 =	simm.s32 $execute0_lowered;
	[smem:$0x3FD2] =	sst s23  }
0xa4: {  	s4 =	sshll.u32 s24, $0x1;
	_ =	strace $0x80000046;
	[dreg:$0x1] =	wrdreg $0xFFFFFFFF  }
0xa5: {  	s25 =	simm.s32 $_size_execute0_lowered;
	s2 =	sadd.s32 s2, s4;
	[dreg:$0x0] =	wrdreg $0x0  }
0xa6: {  	s4 =	sshll.u32 s25, $0x1;
	[dreg:$0x2] =	wrdreg s2  }
0xa7: {  	[dreg:$0x3] =	wrdreg s4  }
0xa8: {  	[dreg:$0x4] =	wrdreg $0xC0  }
0xa9: {  	_ =	task [dreg:s6], $0x5FFFF  }
0xaa: {  	[dreg:$0x1] =	wrdreg $0xFFFFFFFF  }
0xab: {  	[dreg:$0x0] =	wrdreg $0x60  }
0xac: {  	[dreg:$0x2] =	wrdreg s0  }
0xad: {  	[dreg:$0x3] =	wrdreg s16  }
0xae: {  	[dreg:$0x4] =	wrdreg s22  }
0xaf: {  	[dreg:$0x5] =	wrdreg $0x9  }
0xb0: {  	_ =	task.clear_ibuf [dreg:s6], $0x6FFFF;
	_ =	strace $0x90000046  }
0xb1: {  	s26 =	simm.s32 $0x9;
	_ =	strace $0x80000048  }
0xb2: {  	_ =	swait.ge [sflag:s26], $0x1  }
0xb3: {  	[sflag:s26] =	ssyncadd.s32 $0xFFFFFFFF  }
0xb4: {  	_ =	strace $0x90000048  }
0xb5: {  	_ =	sfence  }
0xb6: {  	s28 =	sld [smem:$0x0];
	_ =	sdelay $0x1  }
0xb7: {  	s29 =	srdreg.scid  }
0xb8: {  	s30 =	sshll.u32 s29, $0xD;
	s31 =	sshrl.u32 s29, $0x2  }
0xb9: {  	s1 =	sand.u32 $0x1, s29;
	s2 =	sand.u32 $0x4000, s30;
	s0 =	sadd.s32 s31, s28  }
0xba: {  	s1 =	sor.u32 s2, s1;
	s0 =	sshll.u32 s0, $0x11  }
0xbb: {  	s0 =	sor.u32 s0, s1  }
0xbc: {  	s0 =	sadd.s32 $0x8F2B, s0  }
0xbd: {  	[sflag:s0] =	ssyncadd.remote.s32 $0x1  }
0xbe: {  	_ =	sfence.sel $0xFFFF  }
0xbf: {  	[dreg:$0x0] =	wrdreg $0xFFFFFFFF;
	(pc) =	sbr.abs _section_cstart, $3  }
0xc0: {  	[dreg:$0x1] =	wrdreg $0xFFFFFFFF  }
0xc1: {  	_ =	task.clear_ibuf [dreg:s6], $0x2FFFF;
	_ =	strace $0x9FFFFFFF  }
0xc2: {  	(tm) =	ssettm $0x7FFFFFFF  }
0xc3: {  	_ =	shalt  }
tec
execute0_lowered:
.L_overlay_start_1:
0x0: {  	(tag) =	ssettag $0x1  }
0x1: {  	v0 =	vlaneseq.u32;
	s2 =	simm.s32 $0x0  }
0x2: {  	v2 =	vor.u32 s2, v0  }
0x3: {  	v1 =	vmulhi.u32 $0xAAAAAAAB, v2;
	_ =	sdelay $0x1  }
0x4: {  	s3 =	rddreg [dreg:$0x0];
	v3 =	vshrl.u32 v1, $0x2  }
0x5: {  	s4 =	rddreg [dreg:$0x1];
	v1 =	vmul.u32 $0xFFFFFFFA, v3  }
0x6: {  	s5 =	rddreg [dreg:$0x2];
	s6 =	simm.s32 $0x0;
	s1 =	stileid.u32;
	v4 =	vmov s2;
	v5 =	vsub.s32 $0x0, v2  }
0x7: {  	[smem:$0x7FF] =	sst s6;
	s7 =	sshll.u32 s1, $0x5;
	vm0 =	veq.s32 v4, v0;
	vm1 =	vne.s32 v1, v5  }
0x8: {  	s0 =	rddreg [dreg:$0x3];
	_ =	strace $0x80000047;
	s3 =	sadd.s32 s3, s7;
	v1 =	vimm.s32 $0x0;
	vm0 =	vmand vm0, vm1  }
0x9: {  	[tilespmem:s6], [sflag:$0x1] =	stream.linear.gather [hbm4b:s3+s6], $0x100, $0x38;
	v4 =	vsel vm0, $0xFFFFFFFF, v1;
	[tilespmem:$0x8180] =	vst v63  }
0xa: {  	s26 =	simm.s32 $0x10;
	s28 =	simm.s32 $0x1;
	s2 =	simm.s32 $0x100;
	v3 =	vadd.s32 v4, v3  }
0xb: {  	[tilespmem:s2], [sflag:$0x2] =	stream.linear.gather [hbm4b:s4+s6], $0x80, $0x38;
	v4 =	vmul.u32 $0xFFFFFFFA, v3;
	[tilespmem:$0x8180] =	vst v63  }
0xc: {  	s29 =	simm.s32 $0x20;
	_ =	swait.ge [sflag:s28], $0x100;
	v5 =	vor.u32 s26, v0  }
0xd: {  	v7 =	vor.u32 s29, v0;
	[sflag:s28] =	ssyncset.done $0x0;
	v6 =	vmulhi.u32 $0xAAAAAAAB, v5;
	v2 =	vadd.s32 v2, v4  }
0xe: {  	s30 =	simm.s32 $0x2;
	[sflag:s28] =	ssyncadd.s32 $0xFFFFFF00;
	v4 =	vmulhi.u32 $0xAAAAAAAB, v7  }
0xf: {  	_ =	swait.ge [sflag:s30], $0x80;
	v6 =	vshrl.u32 v6, $0x2;
	v3 =	vshll.u32 v3, $0x7  }
0x10: {  	[sflag:s30] =	ssyncset.done $0x0;
	v9 =	vmul.u32 $0xFFFFFFFA, v6;
	v8 =	vand.u32 $0xFFFFFF80, v2;
	v4 =	vshrl.u32 v4, $0x2  }
0x11: {  	[sflag:s30] =	ssyncadd.s32 $0xFFFFFF80;
	v10 =	vand.u32 $0x7F, v2;
	v3 =	vadd.s32 v3, v8;
	v11 =	vmul.u32 $0xFFFFFFFA, v4  }
0x12: {  	v12 =	vsub.s32 $0x0, v7;
	v8 =	vmov s29;
	v10 =	vor.u32 v10, v3;
	v2 =	vld.idx.msk [tilespmem:v2+s2+$0x0], $0xffff  }
0x13: {  	v5 =	vadd.s32 v5, v9;
	vm14 =	veq.s32 v8, v0;
	vm15 =	vne.s32 v11, v12  }
0x14: {  	vm0 =	vmand vm14, vm15  }
0x15: {  	v3 =	vsel vm0, $0xFFFFFFFF, v1  }
0x16: {  	s3 =	simm.s32 $0x180;
	v6 =	vshll.u32 v6, $0x7;
	v3 =	vadd.s32 v3, v4;
	v4 =	vand.u32 $0xFFFFFF80, v5  }
0x17: {  	v9 =	vand.u32 $0x7F, v5;
	v4 =	vadd.s32 v6, v4;
	[tilespmem:v10+s3+$0x0] =	vst.idx.msk $0xffff, v2  }
0x18: {  	s31 =	simm.s32 $0x30;
	v8 =	vmul.u32 $0xFFFFFFFA, v3;
	v6 =	vor.u32 v9, v4;
	v5 =	vld.idx.msk [tilespmem:v5+s2+$0x0], $0xffff  }
0x19: {  	s7 =	simm.s32 $0x40;
	v2 =	vor.u32 s31, v0  }
0x1a: {  	s4 =	sadd.s32 $0x400, s5;
	s5 =	simm.s32 $0x50;
	s6 =	simm.s32 $0x70;
	v4 =	vadd.s32 v7, v8;
	v7 =	vmulhi.u32 $0xAAAAAAAB, v2  }
.LBB2_1:
0x1b: {  	p0 =	sne.s32 s6, $0x5F0;
	v8 =	vor.u32 s7, v0  }
0x1c: {  	v9 =	vmulhi.u32 $0xAAAAAAAB, v8;
	v7 =	vshrl.u32 v7, $0x2  }
0x1d: {  	v10 =	vand.u32 $0xFFFFFF80, v4;
	v3 =	vshll.u32 v3, $0x7;
	v11 =	vmul.u32 $0xFFFFFFFA, v7;
	[tilespmem:v6+s3+$0x0] =	vst.idx.msk $0xffff, v5  }
0x1e: {  	v3 =	vadd.s32 v3, v10;
	v6 =	vand.u32 $0x7F, v4;
	v5 =	vshrl.u32 v9, $0x2;
	v4 =	vld.idx.msk [tilespmem:v4+s2+$0x0], $0xffff  }
0x1f: {  	v6 =	vor.u32 v6, v3;
	v9 =	vmul.u32 $0xFFFFFFFA, v5  }
0x20: {  	v10 =	vsub.s32 $0x0, v8;
	v3 =	vmov s7;
	v2 =	vadd.s32 v2, v11  }
0x21: {  	vm0 =	veq.s32 v3, v0;
	vm1 =	vne.s32 v9, v10  }
0x22: {  	vm0 =	vmand vm0, vm1  }
0x23: {  	v3 =	vsel vm0, $0xFFFFFFFF, v1  }
.Ltmp0:
0x24: {  	v3 =	vadd.s32 v3, v5;
	[tilespmem:v6+s3+$0x0] =	vst.idx.msk $0xffff, v4;
	v4 =	vand.u32 $0xFFFFFF80, v2;
	v6 =	vshll.u32 v7, $0x7;
	(pc) =	sbr.rel @p0 .LBB2_1-.Ltmp0, $4  }
0x25: {  	v9 =	vand.u32 $0x7F, v2;
	v7 =	vmul.u32 $0xFFFFFFFA, v3;
	v5 =	vld.idx.msk [tilespmem:v2+s2+$0x0], $0xffff;
	v2 =	vadd.s32 v6, v4  }
0x26: {  	v6 =	vor.u32 v9, v2  }
0x27: {  	v2 =	vor.u32 s5, v0;
	s5 =	smov.u32 s6;
	v4 =	vadd.s32 v8, v7  }
0x28: {  	s6 =	sadd.s32 $0x20, s6;
	s7 =	sadd.s32 $0xFFFFFFF0, s5;
	v7 =	vmulhi.u32 $0xAAAAAAAB, v2  }
0x29: {  	v8 =	vor.u32 s7, v0  }
0x2a: {  	v9 =	vmulhi.u32 $0xAAAAAAAB, v8  }
0x2b: {  	v10 =	vand.u32 $0xFFFFFF80, v4;
	v3 =	vshll.u32 v3, $0x7  }
0x2c: {  	v47 =	vand.u32 $0x7F, v4;
	v7 =	vshrl.u32 v7, $0x2;
	v9 =	vshrl.u32 v9, $0x2  }
0x2d: {  	[tilespmem:v6+s3+$0x0] =	vst.idx.msk $0xffff, v5;
	v3 =	vadd.s32 v3, v10;
	v11 =	vmul.u32 $0xFFFFFFFA, v7;
	v48 =	vmul.u32 $0xFFFFFFFA, v9  }
0x2e: {  	v50 =	vmov s7;
	v51 =	vsub.s32 $0x0, v8;
	v49 =	vld.idx.msk [tilespmem:v4+s2+$0x0], $0xffff;
	v3 =	vor.u32 v47, v3  }
0x2f: {  	vm0 =	veq.s32 v50, v0;
	v2 =	vadd.s32 v2, v11;
	vm1 =	vne.s32 v48, v51  }
0x30: {  	vm0 =	vmand vm0, vm1  }
0x31: {  	v1 =	vsel vm0, $0xFFFFFFFF, v1  }
0x32: {  	v53 =	vshll.u32 v7, $0x7;
	v52 =	vand.u32 $0xFFFFFF80, v2;
	v1 =	vadd.s32 v1, v9  }
0x33: {  	v55 =	vand.u32 $0x7F, v2;
	v5 =	vadd.s32 v53, v52;
	[tilespmem:v3+s3+$0x0] =	vst.idx.msk $0xffff, v49;
	v54 =	vmul.u32 $0xFFFFFFFA, v1  }
0x34: {  	v4 =	vor.u32 v55, v5;
	v2 =	vld.idx.msk [tilespmem:v2+s2+$0x0], $0xffff  }
0x35: {  	v56 =	vor.u32 s5, v0;
	v3 =	vadd.s32 v8, v54  }
0x36: {  	v57 =	vmulhi.u32 $0xAAAAAAAB, v56;
	_ =	sdelay $0x1  }
0x37: {  	v5 =	vshrl.u32 v57, $0x2;
	v1 =	vshll.u32 v1, $0x7;
	v58 =	vand.u32 $0xFFFFFF80, v3  }
0x38: {  	v59 =	vmul.u32 $0xFFFFFFFA, v5;
	v60 =	vand.u32 $0x7F, v3;
	[tilespmem:v4+s3+$0x0] =	vst.idx.msk $0xffff, v2;
	v1 =	vadd.s32 v1, v58  }
0x39: {  	v1 =	vor.u32 v60, v1;
	v3 =	vld.idx.msk [tilespmem:v3+s2+$0x0], $0xffff  }
0x3a: {  	v0 =	vadd.s32 v56, v59;
	_ =	sdelay $0x2  }
0x3b: {  	v62 =	vshll.u32 v5, $0x7;
	v61 =	vand.u32 $0xFFFFFF80, v0  }
0x3c: {  	v63 =	vand.u32 $0x7F, v0;
	v2 =	vadd.s32 v62, v61;
	[tilespmem:v1+s3+$0x0] =	vst.idx.msk $0xffff, v3  }
0x3d: {  	v1 =	vor.u32 v63, v2;
	v0 =	vld.idx.msk [tilespmem:v0+s2+$0x0], $0xffff;
	_ =	sdelay $0x3  }
0x3e: {  	s28 =	sshll.u32 s1, $0xC;
	s29 =	simm.s32 $0x0  }
0x3f: {  	s30 =	simm.s32 $0x180;
	s31 =	simm.s32 $0x3;
	s2 =	sadd.s32 s4, s28;
	[tilespmem:v1+s3+$0x0] =	vst.idx.msk $0xffff, v0  }
0x40: {  	[hbm4b:s2+s29] =	stream.linear.scatter [tilespmem:s30], [sflag:$0x3], $0x8000, $0x38;
	[tilespmem:$0x8180] =	vst v63  }
0x41: {  	_ =	swait.ge [sflag:s31], $0x8000  }
0x42: {  	[sflag:s31] =	ssyncset.done $0x0  }
0x43: {  	[sflag:s31] =	ssyncadd.s32 $0xFFFF8000  }
0x44: {  	_ =	sfence.sel $0x180000  }
0x45: {  	[bflag:$0x0] =	sbarrier.arrive $0xFFFF  }
0x46: {  	p0 =	sne.s32 s1, $0x0;
	_ =	strace $0x90000047  }
0x47: {  	s0 =	sadd.s32 @!p0 $0x100000, s0;
	[bflag:$0x2] =	sbarrier.arrive $0xFFFF  }
0x48: {  	[sflag:s0] =	ssyncadd.tile.s32 @!p0 $0x1;
	_ =	shalt  }
.Lfunc_end2:
_tile_overlayer_lowered:
.L_overlay_start_2:
0x49: {  	(tag) =	ssettag $0x2  }
0x4a: {  	s0 =	rddreg [dreg:$0x0];
	s2 =	stileid.u32  }
0x4b: {  	s1 =	rddreg [dreg:$0x1];
	p0 =	sne.s32 s2, $0x0  }
0x4c: {  	s3 =	rddreg [dreg:$0x2];
	[bflag:$0x3] =	sbarrier.arrive $0xFFFF;
	s2 =	simm.s32 @!p0 $0x1C03  }
0x4d: {  	[timem:s3], [sflag:s2] =	dma.local @!p0 [hbm:s0], s1  }
0x4e: {  	s0 =	simm.s32 @!p0 $0x3  }
0x4f: {  	_ =	swait.ge @!p0 [sflag:s0], s1  }
0x50: {  	s1 =	ssub.s32 @!p0 $0x0, s1;
	[sflag:s0] =	ssyncset.done @!p0 $0x0  }
0x51: {  	[sflag:s0] =	ssyncadd.s32 @!p0 s1  }
0x52: {  	[bflag:$0x3] =	sbarrier.arrive $0xFFFF  }
0x53: {  	_ =	shalt  }

</sc_bundles>
